<compile_context>
chip_gen: v7x
topology: tpu7x:2x2x1
jax: 0.10.2.dev20260603
libtpu: 0.0.44.dev20260713+nightly
codegen_flags: <defaults>
</compile_context>

<pallas_src>
import functools

import jax
import jax.numpy as jnp
from jax import lax
from jax.experimental import pallas as pl
from jax.experimental.pallas import tpu as pltpu
from jax.experimental.pallas import tpu_sc as plsc

_LANES = 16


def _sc_gather_pred(predt_rows, bb16, anch_vec, n_rows, nper, g, cp5):
    ch = predt_rows.shape[1]
    mesh = plsc.VectorSubcoreMesh(core_axis_name="c", subcore_axis_name="s")

    @functools.partial(
        pl.kernel,
        out_type=jax.ShapeDtypeStruct((n_rows, _LANES), jnp.float32),
        mesh=mesh,
        scratch_types=[
            pltpu.VMEM((_LANES,), jnp.float32),
            pltpu.VMEM((ch,), jnp.float32),
            pltpu.VMEM((_LANES,), jnp.float32),
            pltpu.VMEM((_LANES,), jnp.float32),
            pltpu.SemaphoreType.DMA,
        ],
    )
    def k(pred_hbm, bb_hbm, anch_hbm, out_hbm, bb_v, chan_v, anch_v, out_v, sem):
        nc = 2
        w = lax.axis_index("s") * nc + lax.axis_index("c")
        pltpu.sync_copy(bb_hbm.at[w], bb_v)
        pltpu.sync_copy(anch_hbm, anch_v)
        bb = bb_v[...]

        def flo(z):
            zi = lax.convert_element_type(z, jnp.int32)
            return jnp.where(lax.convert_element_type(zi, jnp.float32) > z,
                             zi - 1, zi)

        cxi = flo(bb[0] * float(g))
        cyi = flo(bb[1] * float(g))
        r0 = ((w // nper) * g + cyi) * g + cxi
        pltpu.async_copy(pred_hbm.at[r0], chan_v, sem).wait()
        j = lax.broadcasted_iota(jnp.int32, (_LANES,), 0)
        w0 = chan_v[pl.ds(0, _LANES)]
        w1 = chan_v[pl.ds(cp5 - 4, _LANES)]
        w2 = chan_v[pl.ds(2 * (cp5 - 4), _LANES)]
        v = jnp.where(j < 4, w0, jnp.where(j < 8, w1, w2))
        is_xy = (j & 3) < 2
        out = jnp.where(is_xy, 1.0 / (1.0 + jnp.exp(-v)), jnp.exp(v) * anch_v[...])
        out_v[...] = out
        pltpu.sync_copy(out_v, out_hbm.at[w])

    return k(predt_rows, bb16, anch_vec)


def _tc_prep(bb5, lab1, anch16, g, nwh):
    rows = bb5.shape[0]
    shp_t = jax.ShapeDtypeStruct((rows, 2 + nwh + 2), jnp.float32)

    def body(bb_ref, lab_ref, an_ref, t_ref):
        x = bb_ref[...]
        anr = an_ref[...]
        xy = x[:, 0:2]
        whp = x[:, 2:4]
        labc = lab_ref[...].astype(jnp.float32)
        one1 = jnp.ones((rows, 1), jnp.float32)
        lane = lax.broadcasted_iota(jnp.int32, (rows, _LANES), 1)
        in1 = jnp.concatenate(
            [xy, whp, whp, whp, one1, labc,
             jnp.ones((rows, _LANES - 2 - 2 * 3 - 2), jnp.float32)], axis=1)
        in2 = jnp.broadcast_to(anr, (rows, _LANES))
        p = in1 - jnp.floor(in1 * g) * (1.0 / g) + 1e-8
        txy = -jnp.log(1.0 / p - 1.0)
        twh = jnp.log(in1 / in2)
        tt = jnp.where(lane < 2, txy, jnp.where(lane < 2 + nwh, twh, in1))
        t_ref[...] = tt[:, : 2 + nwh + 2]

    return pl.pallas_call(body, out_shape=shp_t)(bb5, lab1, anch16)


def kernel(pred, bboxes, labels, anchors):
    B, CH, G, _ = pred.shape
    A = anchors.shape[0]
    N = bboxes.shape[1]
    cp5 = CH // A
    gf = float(G)

    bb4 = bboxes.reshape(B * N, 4)
    lab1 = labels.reshape(B * N, 1)
    anch16 = jnp.concatenate(
        [jnp.ones((1, 2), jnp.float32), anchors.reshape(1, 2 * A),
         jnp.ones((1, _LANES - 2 - 2 * A), jnp.float32)], axis=1)
    obj_target = _tc_prep(bb4, lab1, anch16, gf, 2 * A)

    j = jnp.arange(_LANES)
    jc = jnp.minimum(j, 4 * A - 1)
    a_ = jc // 4
    k_ = jc & 3
    anch_vec = jnp.where(k_ >= 2, anchors[a_, jnp.clip(k_ - 2, 0, 1)], 1.0).astype(
        jnp.float32
    )

    predt = jnp.transpose(pred, (0, 2, 3, 1)).reshape(B * G * G, CH)
    bb16 = jnp.concatenate(
        [bb4, jnp.zeros((B * N, _LANES - 4), jnp.float32)], axis=1
    )
    obj_pred16 = _sc_gather_pred(predt, bb16, anch_vec, B * N, N, G, cp5)
    obj_pred_xywh = obj_pred16[:, : A * 4].reshape(-1, 4)
    return (obj_pred_xywh, obj_target)

# --- scband reference (transcript-rebuilt; emitter-appended) ---
"""Pipeline reference for scband-yololoss-19413252178337 (READ-ONLY COPY).

The authoritative reference and input builder live on the scoring server;
editing this copy changes nothing except your own understanding.
"""

import jax, jax.numpy as jnp
import numpy as np

NUM_CLASSES = 80


def _build_targets(bboxes, labels_f, G, anchors):
    B, N = bboxes.shape[0], bboxes.shape[1]
    A = anchors.shape[0]
    cell = 1.0 / G
    xy = bboxes[..., :2]
    wh = bboxes[..., 2:]
    cij = jnp.floor(xy / cell).astype(jnp.int32)
    offsets = cij.astype(jnp.float32) * cell
    eps = 1e-8
    txy = -jnp.log(1.0 / (xy - offsets + eps) - 1.0)
    twh = jnp.log(wh[:, :, None, :] / anchors[None, None, :, :]).reshape(B, N, A * 2)
    conf = jnp.ones((B, N, 1), dtype=jnp.float32)
    lab = labels_f[:, :, None]
    tv = jnp.concatenate([txy, twh, conf, lab], axis=-1)
    target = jnp.zeros((B, A * 2 + 4, G, G), dtype=jnp.float32)
    b_idx = jnp.repeat(jnp.arange(B), N)
    cy = cij[..., 1].reshape(-1)
    cx = cij[..., 0].reshape(-1)
    target = target.at[b_idx, :, cy, cx].set(tv.reshape(B * N, A * 2 + 4))
    return target


def setup_inputs(seed: int = 0):
    key = jax.random.key(seed)
    k1, k2, k3, k4, k5, k6, k7 = jax.random.split(key, 7)
    B, Nbox, G, A, C = 16, 2, 64, 3, NUM_CLASSES
    anchors = jnp.array([[0.10, 0.13], [0.28, 0.22], [0.38, 0.48]], dtype=jnp.float32)
    pred = jax.random.normal(k1, (B, A * (C + 5), G, G), dtype=jnp.float32)
    # ensure the 2 boxes of each image land in distinct grid cells
    cx = jax.random.randint(k2, (B, Nbox), 0, G)
    cy0 = jax.random.randint(k3, (B, 1), 0, G // 2)
    cy1 = jax.random.randint(k4, (B, 1), G // 2, G)
    cy = jnp.concatenate([cy0, cy1], axis=1)
    u = jax.random.uniform(k5, (B, Nbox, 2), minval=0.1, maxval=0.9)
    cell = 1.0 / G
    xy = (jnp.stack([cx, cy], axis=-1).astype(jnp.float32) + u) * cell
    wh = jax.random.uniform(k6, (B, Nbox, 2), minval=0.05, maxval=0.4)
    bboxes = jnp.concatenate([xy, wh], axis=-1).astype(jnp.float32)
    labels = jax.random.randint(k7, (B, Nbox), 0, C)
    return {"pred": pred, "bboxes": bboxes, "labels": labels, "anchors": anchors}


def reference(pred, bboxes, labels, anchors):
    # bbox_format='xywh' path (coco_to_xywh is undefined in the source module)
    A = anchors.shape[0]
    G = pred.shape[2]
    C = NUM_CLASSES
    labels_f = labels.astype(jnp.float32)
    target = _build_targets(bboxes, labels_f, G, anchors)
    target = jnp.transpose(target, (0, 2, 3, 1))
    obj_mask = target[:, :, :, -2] == 1.0
    predp = jnp.transpose(pred, (0, 2, 3, 1)).reshape(-1, G, G, A, C + 5)
    pred_txy = predp[..., :2]
    pred_twh = predp[..., 2:4]
    pred_xy = jax.nn.sigmoid(pred_txy)
    pred_wh = jnp.exp(pred_twh) * anchors[None, None, None, :, :]
    bi, gi, gj = jnp.nonzero(obj_mask, size=bboxes.shape[0] * bboxes.shape[1])
    obj_pred_xy = pred_xy[bi, gi, gj]
    obj_pred_wh = pred_wh[bi, gi, gj]
    obj_target = target[bi, gi, gj]
    obj_pred_xywh = jnp.concatenate([obj_pred_xy, obj_pred_wh], axis=-1).reshape(-1, 4)
    return (obj_pred_xywh, obj_target)

if __name__ == "__main__":
    import jax
    _d = setup_inputs()
    print(jax.jit(kernel)(*tuple(_d.values())))

</pallas_src>

<mosaic_0001>
#map = affine_map<(d0, d1) -> (0, 0)>
#map1 = affine_map<(d0, d1) -> (0)>
module attributes {stable_mosaic.version = 14 : i64} {
  func.func @k(%arg0: i32, %arg1: i32, %arg2: memref<65536x255xf32, #tpu.memory_space<hbm>>, %arg3: memref<32x16xf32, #tpu.memory_space<hbm>>, %arg4: memref<16xf32, #tpu.memory_space<hbm>>, %arg5: memref<32x16xf32, #tpu.memory_space<hbm>>, %arg6: memref<16xf32, #tpu.memory_space<vmem>>, %arg7: memref<255xf32, #tpu.memory_space<vmem>>, %arg8: memref<16xf32, #tpu.memory_space<vmem>>, %arg9: memref<16xf32, #tpu.memory_space<vmem>>, %arg10: memref<!tpu.dma_semaphore, #tpu.memory_space<semaphore_mem>>) attributes {dimension_semantics = [#tpu.dimension_semantics<core_parallel>, #tpu.dimension_semantics<subcore_parallel>], iteration_bounds = array<i64: 2, 16>, scalar_prefetch = 0 : i64, scratch_operands = 5 : i64, tpu.core_type = #tpu.core_type<sc_vector_subcore>, window_params = [{transform_indices = #map}, {transform_indices = #map}, {transform_indices = #map1}, {transform_indices = #map}]} {
    %mul3A = arith.constant 2 : i32
    %mul3A_0 = arith.muli %arg1, %mul3A : i32
    %add3A = arith.addi %mul3A_0, %arg0 : i32
    "tpu.region"() ({
      %run_scoped3A = tpu.sem_alloc : memref<!tpu.dma_semaphore, #tpu.memory_space<semaphore_mem>>
      %dma_start3A_90 = arith.constant 0 : i32
      %dma_start3A_91 = tpu.memref_slice %arg3[%add3A, %dma_start3A_90] : memref<32x16xf32, #tpu.memory_space<hbm>> -> memref<1x16xf32, #tpu.memory_space<hbm>>
      %dma_start3A_92 = tpu.memref_squeeze %dma_start3A_91 : memref<1x16xf32, #tpu.memory_space<hbm>> -> memref<16xf32, #tpu.memory_space<hbm>>
      %dma_start3A_93 = arith.constant 0 : i32
      %dma_start3A_94 = tpu.memref_slice %arg3[%add3A, %dma_start3A_93] : memref<32x16xf32, #tpu.memory_space<hbm>> -> memref<1x16xf32, #tpu.memory_space<hbm>>
      %dma_start3A_95 = tpu.memref_squeeze %dma_start3A_94 : memref<1x16xf32, #tpu.memory_space<hbm>> -> memref<16xf32, #tpu.memory_space<hbm>>
      tpu.enqueue_dma source(%dma_start3A_95 : memref<16xf32, #tpu.memory_space<hbm>>) target(%arg6 : memref<16xf32, #tpu.memory_space<vmem>>) target_semaphore(%run_scoped3A : memref<!tpu.dma_semaphore, #tpu.memory_space<semaphore_mem>>)
      %dma_wait3A_96 = arith.constant 0 : i32
      %dma_wait3A_97 = tpu.memref_slice %arg3[%add3A, %dma_wait3A_96] : memref<32x16xf32, #tpu.memory_space<hbm>> -> memref<1x16xf32, #tpu.memory_space<hbm>>
      %dma_wait3A_98 = tpu.memref_squeeze %dma_wait3A_97 : memref<1x16xf32, #tpu.memory_space<hbm>> -> memref<16xf32, #tpu.memory_space<hbm>>
      %dma_wait3A_99 = arith.constant 0 : i32
      %dma_wait3A_100 = tpu.memref_slice %arg3[%add3A, %dma_wait3A_99] : memref<32x16xf32, #tpu.memory_space<hbm>> -> memref<1x16xf32, #tpu.memory_space<hbm>>
      %dma_wait3A_101 = tpu.memref_squeeze %dma_wait3A_100 : memref<1x16xf32, #tpu.memory_space<hbm>> -> memref<16xf32, #tpu.memory_space<hbm>>
      tpu.wait_dma2 semaphore(%run_scoped3A : memref<!tpu.dma_semaphore, #tpu.memory_space<semaphore_mem>>) src(%dma_wait3A_101 : memref<16xf32, #tpu.memory_space<hbm>>) dst(%arg6 : memref<16xf32, #tpu.memory_space<vmem>>)
      tpu.yield
    }) : () -> ()
    "tpu.region"() ({
      %run_scoped3A = tpu.sem_alloc : memref<!tpu.dma_semaphore, #tpu.memory_space<semaphore_mem>>
      tpu.enqueue_dma source(%arg4 : memref<16xf32, #tpu.memory_space<hbm>>) target(%arg8 : memref<16xf32, #tpu.memory_space<vmem>>) target_semaphore(%run_scoped3A : memref<!tpu.dma_semaphore, #tpu.memory_space<semaphore_mem>>)
      tpu.wait_dma2 semaphore(%run_scoped3A : memref<!tpu.dma_semaphore, #tpu.memory_space<semaphore_mem>>) src(%arg4 : memref<16xf32, #tpu.memory_space<hbm>>) dst(%arg8 : memref<16xf32, #tpu.memory_space<vmem>>)
      tpu.yield
    }) : () -> ()
    %get3A = arith.constant 0 : index
    %get3A_1 = tpu.vector_load %arg6[%get3A] {strides = array<i32>} : memref<16xf32, #tpu.memory_space<vmem>>, vector<16xf32>,
    %get3A_2 = vector.shape_cast %get3A_1 : vector<16xf32> to vector<16xf32>
    %slice3A = vector.extract_strided_slice %get3A_2 {offsets = [0], sizes = [1], strides = [1]} : vector<16xf32> to vector<1xf32>
    %squeeze3A = vector.extract %slice3A[0] : f32 from vector<1xf32>
    %mul3A_3 = arith.constant 6.400000e+01 : f32
    %mul3A_4 = arith.mulf %squeeze3A, %mul3A_3 : f32
    %convert_element_type3A = arith.fptosi %mul3A_4 : f32 to i32
    %convert_element_type3A_5 = arith.sitofp %convert_element_type3A : i32 to f32
    %gt3A = arith.cmpf ogt, %convert_element_type3A_5, %mul3A_4 : f32
    %sub3A = arith.constant 1 : i32
    %sub3A_6 = arith.subi %convert_element_type3A, %sub3A : i32
    %select_n3A = arith.select %gt3A, %sub3A_6, %convert_element_type3A : i32
    %slice3A_7 = vector.extract_strided_slice %get3A_2 {offsets = [1], sizes = [1], strides = [1]} : vector<16xf32> to vector<1xf32>
    %squeeze3A_8 = vector.extract %slice3A_7[0] : f32 from vector<1xf32>
    %mul3A_9 = arith.constant 6.400000e+01 : f32
    %mul3A_10 = arith.mulf %squeeze3A_8, %mul3A_9 : f32
    %convert_element_type3A_11 = arith.fptosi %mul3A_10 : f32 to i32
    %convert_element_type3A_12 = arith.sitofp %convert_element_type3A_11 : i32 to f32
    %gt3A_13 = arith.cmpf ogt, %convert_element_type3A_12, %mul3A_10 : f32
    %sub3A_14 = arith.constant 1 : i32
    %sub3A_15 = arith.subi %convert_element_type3A_11, %sub3A_14 : i32
    %select_n3A_16 = arith.select %gt3A_13, %sub3A_15, %convert_element_type3A_11 : i32
    %jit3A = arith.constant 2 : i32
    %div3A = arith.divsi %add3A, %jit3A : i32
    %sign3A = arith.constant 0 : i32
    %sign3A_17 = arith.cmpi sgt, %add3A, %sign3A : i32
    %sign3A_18 = arith.extui %sign3A_17 : i1 to i32
    %sign3A_19 = arith.constant 0 : i32
    %sign3A_20 = arith.cmpi slt, %add3A, %sign3A_19 : i32
    %sign3A_21 = arith.extui %sign3A_20 : i1 to i32
    %sign3A_22 = arith.subi %sign3A_18, %sign3A_21 : i32
    %sign3A_23 = arith.constant 0 : i32
    %sign3A_24 = arith.cmpi sgt, %jit3A, %sign3A_23 : i32
    %sign3A_25 = arith.extui %sign3A_24 : i1 to i32
    %sign3A_26 = arith.constant 0 : i32
    %sign3A_27 = arith.cmpi slt, %jit3A, %sign3A_26 : i32
    %sign3A_28 = arith.extui %sign3A_27 : i1 to i32
    %sign3A_29 = arith.subi %sign3A_25, %sign3A_28 : i32
    %ne3A = arith.cmpi ne, %sign3A_22, %sign3A_29 : i32
    %rem3A = arith.remsi %add3A, %jit3A : i32
    %ne3A_30 = arith.constant 0 : i32
    %ne3A_31 = arith.cmpi ne, %rem3A, %ne3A_30 : i32
    %and3A = arith.andi %ne3A, %ne3A_31 : i1
    %sub3A_32 = arith.constant 1 : i32
    %sub3A_33 = arith.subi %div3A, %sub3A_32 : i32
    %select_n3A_34 = arith.select %and3A, %sub3A_33, %div3A : i32
    %mul3A_35 = arith.constant 64 : i32
    %mul3A_36 = arith.muli %select_n3A_34, %mul3A_35 : i32
    %add3A_37 = arith.addi %mul3A_36, %select_n3A_16 : i32
    %mul3A_38 = arith.constant 64 : i32
    %mul3A_39 = arith.muli %add3A_37, %mul3A_38 : i32
    %add3A_40 = arith.addi %mul3A_39, %select_n3A : i32
    %dma_start3A = arith.constant 0 : i32
    %dma_start3A_41 = tpu.memref_slice %arg2[%add3A_40, %dma_start3A] : memref<65536x255xf32, #tpu.memory_space<hbm>> -> memref<1x255xf32, #tpu.memory_space<hbm>>
    %dma_start3A_42 = tpu.memref_squeeze %dma_start3A_41 : memref<1x255xf32, #tpu.memory_space<hbm>> -> memref<255xf32, #tpu.memory_space<hbm>>
    %dma_start3A_43 = arith.constant 0 : i32
    %dma_start3A_44 = tpu.memref_slice %arg2[%add3A_40, %dma_start3A_43] : memref<65536x255xf32, #tpu.memory_space<hbm>> -> memref<1x255xf32, #tpu.memory_space<hbm>>
    %dma_start3A_45 = tpu.memref_squeeze %dma_start3A_44 : memref<1x255xf32, #tpu.memory_space<hbm>> -> memref<255xf32, #tpu.memory_space<hbm>>
    tpu.enqueue_dma source(%dma_start3A_45 : memref<255xf32, #tpu.memory_space<hbm>>) target(%arg7 : memref<255xf32, #tpu.memory_space<vmem>>) target_semaphore(%arg10 : memref<!tpu.dma_semaphore, #tpu.memory_space<semaphore_mem>>)
    %dma_wait3A = arith.constant 0 : i32
    %dma_wait3A_46 = tpu.memref_slice %arg2[%add3A_40, %dma_wait3A] : memref<65536x255xf32, #tpu.memory_space<hbm>> -> memref<1x255xf32, #tpu.memory_space<hbm>>
    %dma_wait3A_47 = tpu.memref_squeeze %dma_wait3A_46 : memref<1x255xf32, #tpu.memory_space<hbm>> -> memref<255xf32, #tpu.memory_space<hbm>>
    %dma_wait3A_48 = arith.constant 0 : i32
    %dma_wait3A_49 = tpu.memref_slice %arg2[%add3A_40, %dma_wait3A_48] : memref<65536x255xf32, #tpu.memory_space<hbm>> -> memref<1x255xf32, #tpu.memory_space<hbm>>
    %dma_wait3A_50 = tpu.memref_squeeze %dma_wait3A_49 : memref<1x255xf32, #tpu.memory_space<hbm>> -> memref<255xf32, #tpu.memory_space<hbm>>
    tpu.wait_dma2 semaphore(%arg10 : memref<!tpu.dma_semaphore, #tpu.memory_space<semaphore_mem>>) src(%dma_wait3A_50 : memref<255xf32, #tpu.memory_space<hbm>>) dst(%arg7 : memref<255xf32, #tpu.memory_space<vmem>>)
    %iota3A = tpu.iota {dimensions = array<i32: 0>} : vector<16xi32>
    %get3A_51 = arith.constant 0 : index
    %get3A_52 = tpu.vector_load %arg7[%get3A_51] {strides = array<i32>} : memref<255xf32, #tpu.memory_space<vmem>>, vector<16xf32>,
    %get3A_53 = vector.shape_cast %get3A_52 : vector<16xf32> to vector<16xf32>
    %get3A_54 = arith.constant 81 : index
    %get3A_55 = tpu.vector_load %arg7[%get3A_54] {strides = array<i32>} : memref<255xf32, #tpu.memory_space<vmem>>, vector<16xf32>,
    %get3A_56 = vector.shape_cast %get3A_55 : vector<16xf32> to vector<16xf32>
    %get3A_57 = arith.constant 162 : index
    %get3A_58 = tpu.vector_load %arg7[%get3A_57] {strides = array<i32>} : memref<255xf32, #tpu.memory_space<vmem>>, vector<16xf32>,
    %get3A_59 = vector.shape_cast %get3A_58 : vector<16xf32> to vector<16xf32>
    %lt3A = arith.constant 4 : i32
    %lt3A_60 = vector.broadcast %lt3A : i32 to vector<16xi32>
    %lt3A_61 = arith.cmpi slt, %iota3A, %lt3A_60 : vector<16xi32>
    %lt3A_62 = arith.constant 8 : i32
    %lt3A_63 = vector.broadcast %lt3A_62 : i32 to vector<16xi32>
    %lt3A_64 = arith.cmpi slt, %iota3A, %lt3A_63 : vector<16xi32>
    %select_n3A_65 = arith.select %lt3A_64, %get3A_56, %get3A_59 : vector<16xi1>, vector<16xf32>
    %select_n3A_66 = arith.select %lt3A_61, %get3A_53, %select_n3A_65 : vector<16xi1>, vector<16xf32>
    %and3A_67 = arith.constant 3 : i32
    %and3A_68 = vector.broadcast %and3A_67 : i32 to vector<16xi32>
    %and3A_69 = arith.andi %iota3A, %and3A_68 : vector<16xi32>
    %lt3A_70 = arith.constant 2 : i32
    %lt3A_71 = vector.broadcast %lt3A_70 : i32 to vector<16xi32>
    %lt3A_72 = arith.cmpi slt, %and3A_69, %lt3A_71 : vector<16xi32>
    %neg3A = arith.constant 0.000000e+00 : f32
    %neg3A_73 = vector.broadcast %neg3A : f32 to vector<16xf32>
    %neg3A_74 = arith.subf %neg3A_73, %select_n3A_66 : vector<16xf32>
    %exp3A = math.exp %neg3A_74 : vector<16xf32>
    %add3A_75 = arith.constant 1.000000e+00 : f32
    %add3A_76 = vector.broadcast %add3A_75 : f32 to vector<16xf32>
    %add3A_77 = arith.addf %add3A_76, %exp3A : vector<16xf32>
    %div3A_78 = arith.constant 1.000000e+00 : f32
    %div3A_79 = vector.broadcast %div3A_78 : f32 to vector<16xf32>
    %div3A_80 = arith.divf %div3A_79, %add3A_77 : vector<16xf32>
    %exp3A_81 = math.exp %select_n3A_66 : vector<16xf32>
    %get3A_82 = arith.constant 0 : index
    %get3A_83 = tpu.vector_load %arg8[%get3A_82] {strides = array<i32>} : memref<16xf32, #tpu.memory_space<vmem>>, vector<16xf32>,
    %get3A_84 = vector.shape_cast %get3A_83 : vector<16xf32> to vector<16xf32>
    %mul3A_85 = arith.mulf %exp3A_81, %get3A_84 : vector<16xf32>
    %select_n3A_86 = arith.select %lt3A_72, %div3A_80, %mul3A_85 : vector<16xi1>, vector<16xf32>
    %swap3A = arith.constant 0 : index
    %swap3A_87 = tpu.vector_load %arg9[%swap3A] {strides = array<i32>} : memref<16xf32, #tpu.memory_space<vmem>>, vector<16xf32>,
    %swap3A_88 = vector.shape_cast %swap3A_87 : vector<16xf32> to vector<16xf32>
    %swap3A_89 = vector.shape_cast %select_n3A_86 : vector<16xf32> to vector<16xf32>
    tpu.vector_store %arg9[%swap3A], %swap3A_89 {strides = array<i32>} : memref<16xf32, #tpu.memory_space<vmem>>, vector<16xf32>,
    "tpu.region"() ({
      %run_scoped3A = tpu.sem_alloc : memref<!tpu.dma_semaphore, #tpu.memory_space<semaphore_mem>>
      %dma_start3A_90 = arith.constant 0 : i32
      %dma_start3A_91 = tpu.memref_slice %arg5[%add3A, %dma_start3A_90] : memref<32x16xf32, #tpu.memory_space<hbm>> -> memref<1x16xf32, #tpu.memory_space<hbm>>
      %dma_start3A_92 = tpu.memref_squeeze %dma_start3A_91 : memref<1x16xf32, #tpu.memory_space<hbm>> -> memref<16xf32, #tpu.memory_space<hbm>>
      %dma_start3A_93 = arith.constant 0 : i32
      %dma_start3A_94 = tpu.memref_slice %arg5[%add3A, %dma_start3A_93] : memref<32x16xf32, #tpu.memory_space<hbm>> -> memref<1x16xf32, #tpu.memory_space<hbm>>
      %dma_start3A_95 = tpu.memref_squeeze %dma_start3A_94 : memref<1x16xf32, #tpu.memory_space<hbm>> -> memref<16xf32, #tpu.memory_space<hbm>>
      tpu.enqueue_dma source(%arg9 : memref<16xf32, #tpu.memory_space<vmem>>) target(%dma_start3A_95 : memref<16xf32, #tpu.memory_space<hbm>>) target_semaphore(%run_scoped3A : memref<!tpu.dma_semaphore, #tpu.memory_space<semaphore_mem>>)
      %dma_wait3A_96 = arith.constant 0 : i32
      %dma_wait3A_97 = tpu.memref_slice %arg5[%add3A, %dma_wait3A_96] : memref<32x16xf32, #tpu.memory_space<hbm>> -> memref<1x16xf32, #tpu.memory_space<hbm>>
      %dma_wait3A_98 = tpu.memref_squeeze %dma_wait3A_97 : memref<1x16xf32, #tpu.memory_space<hbm>> -> memref<16xf32, #tpu.memory_space<hbm>>
      %dma_wait3A_99 = arith.constant 0 : i32
      %dma_wait3A_100 = tpu.memref_slice %arg5[%add3A, %dma_wait3A_99] : memref<32x16xf32, #tpu.memory_space<hbm>> -> memref<1x16xf32, #tpu.memory_space<hbm>>
      %dma_wait3A_101 = tpu.memref_squeeze %dma_wait3A_100 : memref<1x16xf32, #tpu.memory_space<hbm>> -> memref<16xf32, #tpu.memory_space<hbm>>
      tpu.wait_dma2 semaphore(%run_scoped3A : memref<!tpu.dma_semaphore, #tpu.memory_space<semaphore_mem>>) src(%arg9 : memref<16xf32, #tpu.memory_space<vmem>>) dst(%dma_wait3A_101 : memref<16xf32, #tpu.memory_space<hbm>>)
      tpu.yield
    }) : () -> ()
    return
  }
}

module attributes {stable_mosaic.version = 14 : i64} {
  func.func @body(%arg0: memref<32x4xf32, #tpu.memory_space<vmem>>, %arg1: memref<32x1xi32, #tpu.memory_space<vmem>>, %arg2: memref<1x16xf32, #tpu.memory_space<vmem>>, %arg3: memref<32x10xf32, #tpu.memory_space<vmem>>) attributes {dimension_semantics = [], scalar_prefetch = 0 : i64, scratch_operands = 0 : i64, tpu.core_type = #tpu.core_type<tc>} {
    %get3A = arith.constant 0 : index
    %get3A_0 = arith.constant 0 : index
    %get3A_1 = vector.load %arg0[%get3A, %get3A_0] : memref<32x4xf32, #tpu.memory_space<vmem>>, vector<32x4xf32>
    %get3A_2 = arith.constant 0 : index
    %get3A_3 = arith.constant 0 : index
    %get3A_4 = vector.load %arg2[%get3A_2, %get3A_3] : memref<1x16xf32, #tpu.memory_space<vmem>>, vector<1x16xf32>
    %slice3A = vector.extract_strided_slice %get3A_1 {offsets = [0, 0], sizes = [32, 2], strides = [1, 1]} : vector<32x4xf32> to vector<32x2xf32>
    %slice3A_5 = vector.extract_strided_slice %get3A_1 {offsets = [0, 2], sizes = [32, 2], strides = [1, 1]} : vector<32x4xf32> to vector<32x2xf32>
    %get3A_6 = arith.constant 0 : index
    %get3A_7 = arith.constant 0 : index
    %get3A_8 = vector.load %arg1[%get3A_6, %get3A_7] : memref<32x1xi32, #tpu.memory_space<vmem>>, vector<32x1xi32>
    %convert_element_type3A = arith.sitofp %get3A_8 : vector<32x1xi32> to vector<32x1xf32>
    %broadcast_in_dim3A = arith.constant 1.000000e+00 : f32
    %broadcast_in_dim3A_9 = vector.broadcast %broadcast_in_dim3A : f32 to vector<32x1xf32>
    %iota3A = tpu.iota {dimensions = array<i32: 1>} : vector<32x16xi32>
    %broadcast_in_dim3A_10 = arith.constant 1.000000e+00 : f32
    %broadcast_in_dim3A_11 = vector.broadcast %broadcast_in_dim3A_10 : f32 to vector<32x6xf32>
    %concatenate3A = tpu.concatenate %slice3A, %slice3A_5, %slice3A_5, %slice3A_5, %broadcast_in_dim3A_9, %convert_element_type3A, %broadcast_in_dim3A_11 in 1 : vector<32x2xf32>, vector<32x2xf32>, vector<32x2xf32>, vector<32x2xf32>, vector<32x1xf32>, vector<32x1xf32>, vector<32x6xf32> -> vector<32x16xf32>
    %broadcast_in_dim3A_12 = vector.shape_cast %get3A_4 : vector<1x16xf32> to vector<1x16xf32>
    %broadcast_in_dim3A_13 = vector.broadcast %broadcast_in_dim3A_12 : vector<1x16xf32> to vector<32x16xf32>
    %mul3A = arith.constant 6.400000e+01 : f32
    %mul3A_14 = vector.broadcast %mul3A : f32 to vector<32x16xf32>
    %mul3A_15 = arith.mulf %concatenate3A, %mul3A_14 : vector<32x16xf32>
    %floor3A = math.floor %mul3A_15 : vector<32x16xf32>
    %mul3A_16 = arith.constant 1.562500e-02 : f32
    %mul3A_17 = vector.broadcast %mul3A_16 : f32 to vector<32x16xf32>
    %mul3A_18 = arith.mulf %floor3A, %mul3A_17 : vector<32x16xf32>
    %sub3A = arith.subf %concatenate3A, %mul3A_18 : vector<32x16xf32>
    %add3A = arith.constant 9.99999993E-9 : f32
    %add3A_19 = vector.broadcast %add3A : f32 to vector<32x16xf32>
    %add3A_20 = arith.addf %sub3A, %add3A_19 : vector<32x16xf32>
    %div3A = arith.constant 1.000000e+00 : f32
    %div3A_21 = vector.broadcast %div3A : f32 to vector<32x16xf32>
    %div3A_22 = arith.divf %div3A_21, %add3A_20 : vector<32x16xf32>
    %sub3A_23 = arith.constant 1.000000e+00 : f32
    %sub3A_24 = vector.broadcast %sub3A_23 : f32 to vector<32x16xf32>
    %sub3A_25 = arith.subf %div3A_22, %sub3A_24 : vector<32x16xf32>
    %log3A = math.log %sub3A_25 : vector<32x16xf32>
    %neg3A = arith.constant 0.000000e+00 : f32
    %neg3A_26 = vector.broadcast %neg3A : f32 to vector<32x16xf32>
    %neg3A_27 = arith.subf %neg3A_26, %log3A : vector<32x16xf32>
    %div3A_28 = arith.divf %concatenate3A, %broadcast_in_dim3A_13 : vector<32x16xf32>
    %log3A_29 = math.log %div3A_28 : vector<32x16xf32>
    %lt3A = arith.constant 2 : i32
    %lt3A_30 = vector.broadcast %lt3A : i32 to vector<32x16xi32>
    %lt3A_31 = arith.cmpi slt, %iota3A, %lt3A_30 : vector<32x16xi32>
    %lt3A_32 = arith.constant 8 : i32
    %lt3A_33 = vector.broadcast %lt3A_32 : i32 to vector<32x16xi32>
    %lt3A_34 = arith.cmpi slt, %iota3A, %lt3A_33 : vector<32x16xi32>
    %select_n3A = arith.select %lt3A_34, %log3A_29, %concatenate3A : vector<32x16xi1>, vector<32x16xf32>
    %select_n3A_35 = arith.select %lt3A_31, %neg3A_27, %select_n3A : vector<32x16xi1>, vector<32x16xf32>
    %slice3A_36 = vector.extract_strided_slice %select_n3A_35 {offsets = [0, 0], sizes = [32, 10], strides = [1, 1]} : vector<32x16xf32> to vector<32x10xf32>
    %swap3A = arith.constant 0 : index
    %swap3A_37 = arith.constant 0 : index
    %swap3A_38 = vector.load %arg3[%swap3A, %swap3A_37] : memref<32x10xf32, #tpu.memory_space<vmem>>, vector<32x10xf32>
    tpu.vector_store %arg3[%swap3A, %swap3A_37], %slice3A_36 {strides = array<i32>} : memref<32x10xf32, #tpu.memory_space<vmem>>, vector<32x10xf32>,
    return
  }
}

</mosaic_0001>

<sc_bundles>
// kernel: kernel.4.cloned.1.call-start
scs
__scs_entry_jumppad:
0x0: {  	(pc) =	sbr.rel $0x88, $3  }
0x1: {  	(tag) =	ssettag $0x0;
	lr =	simm.s32 $0x1  }
0x2: {  	[smem:$0x3F9D] =	sst lr;
	_ =	strace $0xD0000000  }
0x3: {  	_ = 	snop  }
0x4: {  	_ = 	snop  }
0x5: {  	_ = 	snop  }
0x6: {  	_ = 	snop  }
0x7: {  	_ = 	snop  }
__scs_overlays_trampoline_lowered:
0x8: {  	[smem:$0x3FAC] =	sst s0  }
0x9: {  	[smem:$0x3FAD] =	sst s1  }
0xa: {  	[smem:$0x3FAE] =	sst s2  }
0xb: {  	[smem:$0x3FAF] =	sst s3  }
0xc: {  	[smem:$0x3FB0] =	sst s4  }
0xd: {  	[smem:$0x3FB1] =	sst s5  }
0xe: {  	[smem:$0x3FB2] =	sst s6  }
0xf: {  	[smem:$0x3FB3] =	sst s7  }
0x10: {  	[smem:$0x3FB4] =	sst s8  }
0x11: {  	[smem:$0x3FB5] =	sst s9;
	s0 =	simm.s32 @!p0 $0x0  }
0x12: {  	s1 =	sld [smem:$0x3F9B];
	s0 =	simm.s32 @p0 $0x1  }
0x13: {  	[smem:$0x3FB6] =	sst s0;
	s0 =	simm.s32 @!p1 $0x0  }
0x14: {  	s2 =	sld [smem:$0x3F9A];
	s0 =	simm.s32 @p1 $0x1  }
0x15: {  	[smem:$0x3FB7] =	sst s0;
	s0 =	simm.s32 @!p2 $0x0  }
0x16: {  	s3 =	sld [smem:$0x3FDB];
	s0 =	simm.s32 @p2 $0x1  }
0x17: {  	s4 =	simm.s32 $0x1BF5;
	[smem:$0x3FB9] =	sst s0  }
0x18: {  	s0 =	sld [smem:$0x3F9C];
	_ =	swait.ge [sflag:s4], $0x0  }
0x19: {  	s7 =	sld [smem:$0x3F9D]  }
0x1a: {  	s8 =	sadd.s32 $0xFFFFE003, lr  }
0x1b: {  	s9 =	sadd.s32 $0xFFFFFEF7, lr;
	s5 =	simm.s32 $0xFFFFFFFF;
	p2 =	slt.u32 s8, $0xFFFFF086  }
0x1c: {  	p1 =	slt.u32 s9, $0xF7A;
	s5 =	simm.s32 @!p2 $0x0  }
0x1d: {  	s5 =	simm.s32 @p1 $0x1;
	p0 =	seq.s32 s7, s2  }
0x1e: {  	s7 =	smul.u32 @!p0 $0xF7A, s2;
	p2 =	seq.s32 @!p0 s5, $0x0  }
0x1f: {  	s9 =	smul.u32 $0xF7A, s1;
	s8 =	simm.s32 @!p0 $0x1BF5;
	p2 =	por !p2, p0  }
0x20: {  	[sflag:s8] =	ssyncset.s32 @!p0 $0xFFFFF086;
	s6 =	sadd.s32 @!p0 s3, s7;
	s7 =	simm.s32 @!p0 $0x108  }
0x21: {  	s3 =	sadd.s32 s3, s9;
	s6 =	sadd.s32 @!p0 $0x88, s6;
	s7 =	simm.s32 @p2 $0x1082  }
0x22: {  	[simem:s7], [sflag:s8] =	dma.local @!p0 [hbm:s6], $0xF7A  }
0x23: {  	s9 =	sor.u32 $0xD0000000, s2;
	s6 =	simm.s32 $0x108;
	_ =	swait.ge @!p0 [sflag:s8], $0x0  }
0x24: {  	s3 =	sadd.s32 $0x88, s3;
	s6 =	simm.s32 @!p1 $0x1082;
	[sflag:s4] =	ssyncset.s32 $0xFFFFF086  }
0x25: {  	[simem:s6], [sflag:s4] =	dma.local [hbm:s3], $0xF7A  }
0x26: {  	[smem:$0x3F9D] =	sst s1;
	(tag) =	ssettag s2;
	_ =	strace s9  }
0x27: {  	s1 =	sld [smem:$0x3FAD]  }
0x28: {  	s2 =	sld [smem:$0x3FAE]  }
0x29: {  	s4 =	sld [smem:$0x3FB0]  }
0x2a: {  	p0 =	seq.s32 s5, $0x0;
	s5 =	sld [smem:$0x3FB1]  }
0x2b: {  	s6 =	sld [smem:$0x3FB2]  }
0x2c: {  	s7 =	sld [smem:$0x3FB3]  }
0x2d: {  	s3 =	simm.s32 $0x108;
	s8 =	sld [smem:$0x3FB4]  }
0x2e: {  	s3 =	simm.s32 @!p0 $0x1082;
	s9 =	sld [smem:$0x3FB5]  }
0x2f: {  	lr =	sadd.s32 s0, s3;
	s0 =	sld [smem:$0x3FAC]  }
0x30: {  	s3 =	sld [smem:$0x3FAF]  }
0x31: {  	[smem:$0x3FB8] =	sst s10  }
0x32: {  	s10 =	sld [smem:$0x3FB6];
	_ =	sdelay $0x3  }
0x33: {  	p0 =	seq.s32 s10, $0x1;
	s10 =	sld [smem:$0x3FB8];
	_ =	sdelay $0x3  }
0x34: {  	[smem:$0x3FB8] =	sst s10  }
0x35: {  	s10 =	sld [smem:$0x3FB7];
	_ =	sdelay $0x3  }
0x36: {  	p1 =	seq.s32 s10, $0x1;
	s10 =	sld [smem:$0x3FB8];
	_ =	sdelay $0x3  }
0x37: {  	[smem:$0x3FB8] =	sst s10  }
0x38: {  	s10 =	sld [smem:$0x3FB9]  }
0x39: {  	_ = 	snop;
	(pc) =	sbr.ind lr, $3  }
0x3a: {  	_ = 	snop  }
0x3b: {  	_ = 	snop  }
0x3c: {  	p2 =	seq.s32 s10, $0x1;
	s10 =	sld [smem:$0x3FB8]  }
0x3d: {  	_ =	shalt  }
0x3e: {  	_ =	shalt  }
0x3f: {  	_ =	shalt  }
0x40: {  	_ =	shalt  }
0x41: {  	_ =	shalt  }
0x42: {  	_ =	shalt  }
0x43: {  	_ =	shalt  }
0x44: {  	_ =	shalt  }
0x45: {  	_ =	shalt  }
0x46: {  	_ =	shalt  }
0x47: {  	_ =	shalt  }
0x48: {  	_ =	shalt  }
0x49: {  	_ =	shalt  }
0x4a: {  	_ =	shalt  }
0x4b: {  	_ =	shalt  }
0x4c: {  	_ =	shalt  }
0x4d: {  	_ =	shalt  }
0x4e: {  	_ =	shalt  }
0x4f: {  	_ =	shalt  }
0x50: {  	_ =	shalt  }
0x51: {  	_ =	shalt  }
0x52: {  	_ =	shalt  }
0x53: {  	_ =	shalt  }
0x54: {  	_ =	shalt  }
0x55: {  	_ =	shalt  }
0x56: {  	_ =	shalt  }
0x57: {  	_ =	shalt  }
0x58: {  	_ =	shalt  }
0x59: {  	_ =	shalt  }
0x5a: {  	_ =	shalt  }
0x5b: {  	_ =	shalt  }
0x5c: {  	_ =	shalt  }
0x5d: {  	_ =	shalt  }
0x5e: {  	_ =	shalt  }
0x5f: {  	_ =	shalt  }
0x60: {  	_ =	shalt  }
0x61: {  	_ =	shalt  }
0x62: {  	_ =	shalt  }
0x63: {  	_ =	shalt  }
0x64: {  	_ =	shalt  }
0x65: {  	_ =	shalt  }
0x66: {  	_ =	shalt  }
0x67: {  	_ =	shalt  }
0x68: {  	_ =	shalt  }
0x69: {  	_ =	shalt  }
0x6a: {  	_ =	shalt  }
0x6b: {  	_ =	shalt  }
0x6c: {  	_ =	shalt  }
0x6d: {  	_ =	shalt  }
0x6e: {  	_ =	shalt  }
0x6f: {  	_ =	shalt  }
0x70: {  	_ =	shalt  }
0x71: {  	_ =	shalt  }
0x72: {  	_ =	shalt  }
0x73: {  	_ =	shalt  }
0x74: {  	_ =	shalt  }
0x75: {  	_ =	shalt  }
0x76: {  	_ =	shalt  }
0x77: {  	_ =	shalt  }
0x78: {  	_ =	shalt  }
0x79: {  	_ =	shalt  }
0x7a: {  	_ =	shalt  }
0x7b: {  	_ =	shalt  }
0x7c: {  	_ =	shalt  }
0x7d: {  	_ =	shalt  }
0x7e: {  	_ =	shalt  }
0x7f: {  	_ =	shalt  }
0x80: {  	_ =	shalt  }
0x81: {  	_ =	shalt  }
0x82: {  	_ =	shalt  }
0x83: {  	_ =	shalt  }
0x84: {  	_ =	shalt  }
0x85: {  	_ =	shalt  }
0x86: {  	_ =	shalt  }
0x87: {  	_ =	shalt  }
.Lfunc_end0:
.L_simem_size_0:
called_computation_lowered:
.L_overlay_start_0:
0x88: {  	s2 =	sld [smem:$0x3FD9]  }
0x89: {  	s3 =	sld [smem:$0x3FFE];
	_ =	sdelay $0x1  }
0x8a: {  	s1 =	srdreg.scid  }
0x8b: {  	s0 =	sand.u32 $0x1, s1  }
0x8c: {  	s14 =	sshll.u32 s0, $0xA;
	s2 =	sadd.s32 s3, s2  }
0x8d: {  	s2 =	sadd.s32 s2, s14  }
0x8e: {  	[smem:$0x3FC4] =	sst s2  }
0x8f: {  	_ = 	snop  }
0x90: {  	s2 =	sld [smem:$0x3FD0];
	_ =	sdelay $0x2  }
0x91: {  	s4 =	simm.s32 $0xA;
	s5 =	simm.s32 $0x10;
	s15 =	sld [smem:$0x3FC9]  }
0x92: {  	[smem:s5], [sflag:s4] =	dma.local [hbm:s2], $0x1  }
0x93: {  	_ =	swait.eq [sflag:s4], $0x1  }
0x94: {  	[sflag:s4] =	ssyncset.done $0x0  }
0x95: {  	[sflag:s4] =	ssyncadd.s32 $0xFFFFFFFF  }
0x96: {  	s16 =	sld [smem:$0x10];
	(tm) =	ssettm $0x1  }
0x97: {  	s17 =	sld [smem:$0x3FFB];
	_ =	sdelay $0x3  }
0x98: {  	_ =	strace s17  }
0x99: {  	s4 =	sld [smem:$0x3FFC];
	_ =	sdelay $0x3  }
0x9a: {  	_ =	strace s4  }
0x9b: {  	s4 =	sld [smem:$0x3FFD];
	_ =	sdelay $0x3  }
0x9c: {  	_ =	strace s4  }
0x9d: {  	_ =	strace $0x8FFFFFFF  }
0x9e: {  	s18 =	sld [smem:$0x3FDB];
	_ =	sdelay $0x1  }
0x9f: {  	s19 =	simm.s32 $_scs_section_size  }
0xa0: {  	s6 =	simm.s32 $_size__tile_overlayer_lowered;
	s7 =	simm.s32 $_tile_overlayer_lowered  }
0xa1: {  	s22 =	simm.s32 $0x1BFF;
	s21 =	sshll.u32 s7, $0x1;
	s4 =	sadd.s32 s19, s18  }
0xa2: {  	s8 =	simm.s32 $0x0;
	s20 =	sshll.u32 s6, $0x1;
	s6 =	sadd.s32 s21, s4  }
0xa3: {  	[timem:s8], [sflag:s22] =	dma.local [hbm:s6], s20  }
0xa4: {  	_ =	swait.ge [sflag:s22], s20  }
0xa5: {  	s5 =	ssub.s32 $0x0, s20;
	[sflag:s22] =	ssyncset.done $0x0  }
0xa6: {  	[sflag:s22] =	ssyncadd.s32 s5;
	_ =	sdelay $0x1  }
0xa7: {  	s23 =	simm.s32 $0x1B8B  }
0xa8: {  	_ =	swait.ge [sflag:s23], $0x1  }
0xa9: {  	[sflag:s23] =	ssyncset.done $0x0  }
0xaa: {  	s25 =	simm.s32 $0x1B8E;
	s24 =	sld [smem:$0x3FFE];
	[sflag:s23] =	ssyncadd.s32 $0xFFFFFFFF  }
0xab: {  	s26 =	simm.s32 $execute0_lowered;
	[smem:$0x3FD2] =	sst s25  }
0xac: {  	s6 =	sshll.u32 s26, $0x1;
	_ =	strace $0x80000046;
	[dreg:$0x1] =	wrdreg $0xFFFFFFFF  }
0xad: {  	s28 =	simm.s32 $_size_execute0_lowered;
	s4 =	sadd.s32 s4, s6;
	[dreg:$0x0] =	wrdreg $0x0  }
0xae: {  	s6 =	sshll.u32 s28, $0x1;
	[dreg:$0x2] =	wrdreg s4  }
0xaf: {  	[dreg:$0x3] =	wrdreg s6  }
0xb0: {  	[dreg:$0x4] =	wrdreg $0xC0  }
0xb1: {  	_ =	task [dreg:s8], $0x5FFFF  }
0xb2: {  	[dreg:$0x1] =	wrdreg $0xFFFFFFFF  }
0xb3: {  	[dreg:$0x0] =	wrdreg $0x60  }
0xb4: {  	[dreg:$0x2] =	wrdreg s15  }
0xb5: {  	[dreg:$0x3] =	wrdreg s24  }
0xb6: {  	[dreg:$0x4] =	wrdreg s16  }
0xb7: {  	[dreg:$0x5] =	wrdreg $0x9  }
0xb8: {  	_ =	task.clear_ibuf [dreg:s8], $0x6FFFF;
	_ =	strace $0x90000046  }
0xb9: {  	s29 =	simm.s32 $0x9;
	_ =	strace $0x80000048  }
0xba: {  	_ =	swait.ge [sflag:s29], $0x1  }
0xbb: {  	[sflag:s29] =	ssyncadd.s32 $0xFFFFFFFF  }
0xbc: {  	_ =	strace $0x90000048  }
0xbd: {  	_ =	sfence  }
0xbe: {  	s30 =	sld [smem:$0x0];
	_ =	sdelay $0x2  }
0xbf: {  	s31 =	sshll.u32 s1, $0xD;
	s1 =	sshrl.u32 s1, $0x2  }
0xc0: {  	s3 =	sand.u32 $0x4000, s31;
	s1 =	sadd.s32 s1, s30  }
0xc1: {  	s0 =	sor.u32 s3, s0;
	s1 =	sshll.u32 s1, $0x11  }
0xc2: {  	s0 =	sor.u32 s1, s0  }
0xc3: {  	s0 =	sadd.s32 $0x8F2B, s0  }
0xc4: {  	[sflag:s0] =	ssyncadd.remote.s32 $0x1  }
0xc5: {  	_ =	sfence.sel $0xFFFF  }
0xc6: {  	[dreg:$0x0] =	wrdreg $0xFFFFFFFF;
	(pc) =	sbr.abs _section_cstart, $3  }
0xc7: {  	[dreg:$0x1] =	wrdreg $0xFFFFFFFF  }
0xc8: {  	_ =	task.clear_ibuf [dreg:s8], $0x2FFFF;
	_ =	strace $0x9FFFFFFF  }
0xc9: {  	(tm) =	ssettm $0x7FFFFFFF  }
tec
execute0_lowered:
.L_overlay_start_1:
0x0: {  	(tag) =	ssettag $0x1  }
0x1: {  	s3 =	rddreg [dreg:$0x0]  }
0x2: {  	s4 =	rddreg [dreg:$0x1]  }
0x3: {  	s8 =	rddreg [dreg:$0x2]  }
0x4: {  	s0 =	rddreg [dreg:$0x3]  }
0x5: {  	s5 =	srdreg.scid;
	s1 =	stileid.u32  }
0x6: {  	s2 =	simm.s32 $0x0;
	s12 =	simm.s32 $0x180;
	s5 =	sand.u32 $0x1, s5  }
0x7: {  	s6 =	sshll.u32 s1, $0x1;
	[smem:$0x7FF] =	sst s2;
	s9 =	ssub.s32 $0x2, s5  }
0x8: {  	s6 =	sor.u32 s5, s6;
	_ =	strace $0x80000047;
	s10 =	sshrl.u32 s9, $0x1  }
0x9: {  	p1 =	seq.s32 s5, $0x1;
	s5 =	simm.s32 $0x2;
	s30 =	ssub.s32 s9, s10  }
0xa: {  	s7 =	sshll.u32 s6, $0x4;
	p0 =	seq.s32 s6, $0x0;
	s13 =	smax.u32 s30, $0x1  }
0xb: {  	s6 =	simm.s32 $0x1;
	p0 =	por !p0, !p1;
	p1 =	sne.s32 s13, $0x1  }
.Ltmp0:
0xc: {  	s4 =	sadd.s32 s7, s4;
	s7 =	simm.s32 $0x1;
	(pc) =	sbr.rel @!p1 .LBB2_3-.Ltmp0, $4  }
0xd: {  	vm0 =	vcmask $0x1710;
	vm1 =	vcmask $0x700;
	s9 =	simm.s32 $0x400;
	s10 =	simm.s32 $0x80;
	p0 =	por !p0, !p0  }
0xe: {  	vm0 =	vmor vm1, vm0;
	vm1 =	vcmask $0x2720;
	s31 =	sadd.s32 $0x800, s4;
	s4 =	sadd.s32 $0xA00, s4;
	s7 =	simm.s32 @!p0 $0x0  }
0xf: {  	vm3 =	vcmask $0x3730;
	vm0 =	vmor vm0, vm1;
	[dreg:$0x4] =	wrdreg s31;
	s13 =	sadd.s32 $0xFFFFFFFF, s13;
	s7 =	ssub.s32 s1, s7  }
0x10: {  	vm2 =	vmmov $0xf;
	vm1 =	vcmask $0x1F10;
	vm0 =	vmor vm0, vm3;
	p0 =	por $0x0, $0x0;
	s11 =	sshll.u32 s7, $0x14;
	s7 =	simm.s32 $0x200  }
0x11: {  	s14 =	rddreg [dreg:$0x4]  }
0x12: {  	[tilespmem:s2], [sflag:$0x2] =	stream.linear.gather [hbm4b:s14+s2], $0x80, $0x38;
	[tilespmem:$0x280] =	vst v63  }
0x13: {  	_ =	swait.ge [sflag:s5], $0x80  }
0x14: {  	[sflag:s5] =	ssyncset.done $0x0  }
0x15: {  	[sflag:s5] =	ssyncadd.s32 $0xFFFFFF80  }
0x16: {  	[tilespmem:s12], [sflag:$0x2] =	stream.linear.gather [hbm4b:s8+s2], $0x80, $0x38;
	[tilespmem:$0x280] =	vst v63  }
0x17: {  	_ =	swait.ge [sflag:s5], $0x80  }
0x18: {  	[sflag:s5] =	ssyncset.done $0x0  }
0x19: {  	[sflag:s5] =	ssyncadd.s32 $0xFFFFFF80  }
0x1a: {  	v0 =	vld [tilespmem:$0x0];
	_ =	sdelay $0x4  }
0x1b: {  	(v2sf) =	vpush v0, $0x0  }
0x1c: {  	(v2sf) =	vpush v0, $0x1;
	_ =	sdelay $0xd  }
0x1d: {  	s31 =	spop (v2sf)  }
0x1e: {  	s14 =	smul.f32 $6.400000000e+01, s31;
	s15 =	spop (v2sf)  }
0x1f: {  	s15 =	smul.f32 $6.400000000e+01, s15  }
0x20: {  	s16 =	scvt.f32.s32 s14  }
0x21: {  	s17 =	scvt.f32.s32 s15  }
0x22: {  	s18 =	scvt.s32.f32 s16  }
0x23: {  	s19 =	scvt.s32.f32 s17  }
0x24: {  	p0 =	slt.f32 s14, s18  }
0x25: {  	s14 =	simm.s32 $0x1;
	p1 =	slt.f32 s15, s19  }
0x26: {  	s15 =	simm.s32 $0x1;
	s14 =	simm.s32 @!p0 $0x0  }
0x27: {  	s15 =	simm.s32 @!p1 $0x0;
	s14 =	ssub.s32 s16, s14  }
0x28: {  	s15 =	ssub.s32 s17, s15;
	s16 =	sshll.u32 s14, $0x8  }
0x29: {  	s15 =	sshll.u32 s15, $0xE;
	s16 =	sadd.s32 s16, s11  }
0x2a: {  	s14 =	sshll.u32 s14, $0x7;
	s15 =	sadd.s32 s16, s15  }
0x2b: {  	s14 =	sand.u32 $0x380, s14;
	s15 =	sand.u32 $0xFFFFF800, s15  }
0x2c: {  	s14 =	sor.u32 s14, s15  }
0x2d: {  	s14 =	sshrl.u32 s14, $0x3  }
0x2e: {  	s14 =	sadd.s32 s3, s14  }
0x2f: {  	[tilespmem:s10], [sflag:$0x1] =	stream.strided.gather [hbm4b:s14+s10], $0x100, s9, s10, $0x38;
	[tilespmem:$0x280] =	vst v63  }
0x30: {  	_ =	swait.ge [sflag:s6], $0x100  }
0x31: {  	[sflag:s6] =	ssyncset.done $0x0  }
0x32: {  	[sflag:s6] =	ssyncadd.s32 $0xFFFFFF00  }
0x33: {  	v60 =	vld [tilespmem:$0xD1]  }
0x34: {  	v1 =	vld [tilespmem:$0x122]  }
0x35: {  	v2 =	vld [tilespmem:$0x80];
	_ =	sdelay $0x3  }
0x36: {  	v0 =	vsel vm1, v60, v1  }
0x37: {  	v0 =	vsel vm2, v2, v0  }
0x38: {  	v61 =	vsub.f32 $0.0e+00, v0  }
0x39: {  	v0 =	vmul.f32 $1.442695020e+00, v0  }
0x3a: {  	v1 =	vmul.f32 $1.442695020e+00, v61  }
0x3b: {  	(erf) = vpow2.f32 v0  }
0x3c: {  	(erf) = vpow2.f32 v1;
	_ =	sdelay $0x7  }
0x3d: {  	v0 =	vpop (erf)  }
0x3e: {  	v1 =	vpop (erf)  }
0x3f: {  	v1 =	vadd.f32 $1.000000000e+00, v1;
	_ =	sdelay $0x1  }
0x40: {  	(erf) = vrcp.f32 v1;
	_ =	sdelay $0x2  }
0x41: {  	v62 =	vld [tilespmem:$0x180];
	_ =	sdelay $0x2  }
0x42: {  	p1 =	sne.s32 s13, $0x1  }
.Ltmp1:
0x43: {  	_ = 	snop;
	(pc) =	sbr.rel @!p1 .LBB2_3-.Ltmp1, $4  }
0x44: {  	v0 =	vmul.f32 v0, v62  }
0x45: {  	v63 =	vpop (erf)  }
0x46: {  	v0 =	vsel vm0, v63, v0  }
0x47: {  	p0 =	por $0x1, $0x1;
	s13 =	sadd.s32 $0xFFFFFFFF, s13;
	[tilespmem:$0x200] =	vst v0  }
.LBB2_2:
0x48: {  	[hbm4b:s4+s2] =	stream.linear.scatter [tilespmem:s7], [sflag:$0x2], $0x80, $0x38;
	[tilespmem:$0x280] =	vst v63  }
0x49: {  	_ =	swait.ge [sflag:s5], $0x80  }
0x4a: {  	[sflag:s5] =	ssyncset.done $0x0  }
0x4b: {  	s14 =	rddreg [dreg:$0x4];
	[sflag:s5] =	ssyncadd.s32 $0xFFFFFF80  }
0x4c: {  	[tilespmem:s2], [sflag:$0x2] =	stream.linear.gather [hbm4b:s14+s2], $0x80, $0x38;
	[tilespmem:$0x280] =	vst v63  }
0x4d: {  	_ =	swait.ge [sflag:s5], $0x80  }
0x4e: {  	[sflag:s5] =	ssyncset.done $0x0  }
0x4f: {  	[sflag:s5] =	ssyncadd.s32 $0xFFFFFF80  }
0x50: {  	[tilespmem:s12], [sflag:$0x2] =	stream.linear.gather [hbm4b:s8+s2], $0x80, $0x38;
	[tilespmem:$0x280] =	vst v63  }
0x51: {  	_ =	swait.ge [sflag:s5], $0x80  }
0x52: {  	[sflag:s5] =	ssyncset.done $0x0  }
0x53: {  	[sflag:s5] =	ssyncadd.s32 $0xFFFFFF80  }
0x54: {  	v0 =	vld [tilespmem:$0x0];
	_ =	sdelay $0x4  }
0x55: {  	(v2sf) =	vpush v0, $0x0  }
0x56: {  	(v2sf) =	vpush v0, $0x1;
	_ =	sdelay $0xd  }
0x57: {  	s31 =	spop (v2sf)  }
0x58: {  	s14 =	smul.f32 $6.400000000e+01, s31;
	s15 =	spop (v2sf)  }
0x59: {  	s15 =	smul.f32 $6.400000000e+01, s15  }
0x5a: {  	s16 =	scvt.f32.s32 s14  }
0x5b: {  	s17 =	scvt.f32.s32 s15  }
0x5c: {  	s18 =	scvt.s32.f32 s16  }
0x5d: {  	s19 =	scvt.s32.f32 s17  }
0x5e: {  	p2 =	slt.f32 s14, s18  }
0x5f: {  	s14 =	simm.s32 $0x1;
	p3 =	slt.f32 s15, s19  }
0x60: {  	s15 =	simm.s32 $0x1;
	s14 =	simm.s32 @!p2 $0x0  }
0x61: {  	s15 =	simm.s32 @!p3 $0x0;
	s14 =	ssub.s32 s16, s14  }
0x62: {  	s15 =	ssub.s32 s17, s15;
	s16 =	sshll.u32 s14, $0x8  }
0x63: {  	s15 =	sshll.u32 s15, $0xE;
	s16 =	sadd.s32 s16, s11  }
0x64: {  	s14 =	sshll.u32 s14, $0x7;
	s15 =	sadd.s32 s16, s15  }
0x65: {  	s14 =	sand.u32 $0x380, s14;
	s15 =	sand.u32 $0xFFFFF800, s15  }
0x66: {  	s14 =	sor.u32 s14, s15  }
0x67: {  	s14 =	sshrl.u32 s14, $0x3  }
0x68: {  	s14 =	sadd.s32 s3, s14  }
0x69: {  	[tilespmem:s10], [sflag:$0x1] =	stream.strided.gather [hbm4b:s14+s10], $0x100, s9, s10, $0x38;
	[tilespmem:$0x280] =	vst v63  }
0x6a: {  	_ =	swait.ge [sflag:s6], $0x100  }
0x6b: {  	[sflag:s6] =	ssyncset.done $0x0  }
0x6c: {  	[sflag:s6] =	ssyncadd.s32 $0xFFFFFF00  }
0x6d: {  	v60 =	vld [tilespmem:$0xD1]  }
0x6e: {  	v1 =	vld [tilespmem:$0x122]  }
0x6f: {  	v2 =	vld [tilespmem:$0x80];
	_ =	sdelay $0x3  }
0x70: {  	v0 =	vsel vm1, v60, v1  }
0x71: {  	v0 =	vsel vm2, v2, v0  }
0x72: {  	v61 =	vsub.f32 $0.0e+00, v0  }
0x73: {  	v0 =	vmul.f32 $1.442695020e+00, v0  }
0x74: {  	v1 =	vmul.f32 $1.442695020e+00, v61  }
0x75: {  	(erf) = vpow2.f32 v0  }
0x76: {  	(erf) = vpow2.f32 v1;
	_ =	sdelay $0x7  }
0x77: {  	v0 =	vpop (erf)  }
0x78: {  	v1 =	vpop (erf)  }
0x79: {  	v1 =	vadd.f32 $1.000000000e+00, v1;
	_ =	sdelay $0x1  }
0x7a: {  	(erf) = vrcp.f32 v1;
	_ =	sdelay $0x2  }
0x7b: {  	v62 =	vld [tilespmem:$0x180];
	_ =	sdelay $0x2  }
0x7c: {  	p1 =	sne.s32 s13, $0x1  }
.Ltmp2:
0x7d: {  	_ = 	snop;
	(pc) =	sbr.rel @p1 .LBB2_2-.Ltmp2, $4  }
0x7e: {  	v0 =	vmul.f32 v0, v62  }
0x7f: {  	v63 =	vpop (erf)  }
0x80: {  	v0 =	vsel vm0, v63, v0  }
0x81: {  	s13 =	sadd.s32 $0xFFFFFFFF, s13;
	[tilespmem:$0x200] =	vst v0  }
.LBB2_3:
0x82: {  	[hbm4b:s4+s2] =	stream.linear.scatter @p0 [tilespmem:s7], [sflag:$0x2], $0x80, $0x38;
	[tilespmem:$0x280] =	vst v63  }
0x83: {  	_ =	swait.ge @p0 [sflag:s5], $0x80  }
0x84: {  	[sflag:s5] =	ssyncset.done @p0 $0x0  }
0x85: {  	s13 =	rddreg [dreg:$0x4];
	[sflag:s5] =	ssyncadd.s32 @p0 $0xFFFFFF80  }
0x86: {  	[tilespmem:s2], [sflag:$0x2] =	stream.linear.gather [hbm4b:s13+s2], $0x80, $0x38;
	[tilespmem:$0x280] =	vst v63  }
0x87: {  	_ =	swait.ge [sflag:s5], $0x80  }
0x88: {  	[sflag:s5] =	ssyncset.done $0x0  }
0x89: {  	[sflag:s5] =	ssyncadd.s32 $0xFFFFFF80  }
0x8a: {  	[tilespmem:s12], [sflag:$0x2] =	stream.linear.gather [hbm4b:s8+s2], $0x80, $0x38;
	[tilespmem:$0x280] =	vst v63  }
0x8b: {  	_ =	swait.ge [sflag:s5], $0x80  }
0x8c: {  	[sflag:s5] =	ssyncset.done $0x0  }
0x8d: {  	[sflag:s5] =	ssyncadd.s32 $0xFFFFFF80  }
0x8e: {  	v0 =	vld [tilespmem:$0x0];
	_ =	sdelay $0x4  }
0x8f: {  	(v2sf) =	vpush v0, $0x0  }
0x90: {  	(v2sf) =	vpush v0, $0x1;
	_ =	sdelay $0xd  }
0x91: {  	s29 =	spop (v2sf)  }
0x92: {  	s8 =	smul.f32 $6.400000000e+01, s29;
	s30 =	spop (v2sf)  }
0x93: {  	s12 =	smul.f32 $6.400000000e+01, s30  }
0x94: {  	s31 =	scvt.f32.s32 s8  }
0x95: {  	s14 =	scvt.f32.s32 s12  }
0x96: {  	s15 =	scvt.s32.f32 s31  }
0x97: {  	s16 =	scvt.s32.f32 s14  }
0x98: {  	p0 =	slt.f32 s8, s15  }
0x99: {  	s8 =	simm.s32 $0x1;
	p1 =	slt.f32 s12, s16  }
0x9a: {  	s12 =	simm.s32 $0x1;
	s8 =	simm.s32 @!p0 $0x0  }
0x9b: {  	s12 =	simm.s32 @!p1 $0x0;
	s8 =	ssub.s32 s31, s8  }
0x9c: {  	s12 =	ssub.s32 s14, s12;
	s13 =	sshll.u32 s8, $0x8  }
0x9d: {  	s12 =	sshll.u32 s12, $0xE;
	s11 =	sadd.s32 s13, s11  }
0x9e: {  	s8 =	sshll.u32 s8, $0x7;
	s11 =	sadd.s32 s11, s12  }
0x9f: {  	s8 =	sand.u32 $0x380, s8;
	s11 =	sand.u32 $0xFFFFF800, s11  }
0xa0: {  	s8 =	sor.u32 s8, s11  }
0xa1: {  	s8 =	sshrl.u32 s8, $0x3  }
0xa2: {  	s3 =	sadd.s32 s3, s8  }
0xa3: {  	[tilespmem:s10], [sflag:$0x1] =	stream.strided.gather [hbm4b:s3+s10], $0x100, s9, s10, $0x38;
	[tilespmem:$0x280] =	vst v63  }
0xa4: {  	_ =	swait.ge [sflag:s6], $0x100  }
0xa5: {  	[sflag:s6] =	ssyncset.done $0x0  }
0xa6: {  	[sflag:s6] =	ssyncadd.s32 $0xFFFFFF00  }
0xa7: {  	v60 =	vld [tilespmem:$0xD1]  }
0xa8: {  	v1 =	vld [tilespmem:$0x122]  }
0xa9: {  	v2 =	vld [tilespmem:$0x80];
	_ =	sdelay $0x3  }
0xaa: {  	v0 =	vsel vm1, v60, v1  }
0xab: {  	v0 =	vsel vm2, v2, v0  }
0xac: {  	v61 =	vsub.f32 $0.0e+00, v0  }
0xad: {  	v0 =	vmul.f32 $1.442695020e+00, v0  }
0xae: {  	v1 =	vmul.f32 $1.442695020e+00, v61  }
0xaf: {  	(erf) = vpow2.f32 v0  }
0xb0: {  	(erf) = vpow2.f32 v1;
	_ =	sdelay $0x7  }
0xb1: {  	v0 =	vpop (erf)  }
0xb2: {  	v1 =	vpop (erf)  }
0xb3: {  	v1 =	vadd.f32 $1.000000000e+00, v1;
	_ =	sdelay $0x1  }
0xb4: {  	(erf) = vrcp.f32 v1;
	_ =	sdelay $0x2  }
0xb5: {  	v62 =	vld [tilespmem:$0x180];
	_ =	sdelay $0x4  }
0xb6: {  	v0 =	vmul.f32 v0, v62  }
0xb7: {  	v63 =	vpop (erf)  }
0xb8: {  	v0 =	vsel vm0, v63, v0  }
0xb9: {  	[tilespmem:$0x200] =	vst v0  }
0xba: {  	[hbm4b:s4+s2] =	stream.linear.scatter [tilespmem:s7], [sflag:$0x2], $0x80, $0x38;
	[tilespmem:$0x280] =	vst v63  }
0xbb: {  	_ =	swait.ge [sflag:s5], $0x80  }
0xbc: {  	[sflag:s5] =	ssyncset.done $0x0  }
0xbd: {  	[sflag:s5] =	ssyncadd.s32 $0xFFFFFF80  }
0xbe: {  	_ =	sfence.sel $0x180000  }
0xbf: {  	[bflag:$0x0] =	sbarrier.arrive $0xFFFF  }
0xc0: {  	p0 =	sne.s32 s1, $0x0;
	_ =	strace $0x90000047  }
0xc1: {  	s0 =	sadd.s32 @!p0 $0x100000, s0;
	[bflag:$0x2] =	sbarrier.arrive $0xFFFF  }
0xc2: {  	[sflag:s0] =	ssyncadd.tile.s32 @!p0 $0x1;
	_ =	shalt  }
.Lfunc_end2:
_tile_overlayer_lowered:
.L_overlay_start_2:
0xc3: {  	(tag) =	ssettag $0x2  }
0xc4: {  	s0 =	rddreg [dreg:$0x0];
	s2 =	stileid.u32  }
0xc5: {  	s1 =	rddreg [dreg:$0x1];
	p0 =	sne.s32 s2, $0x0  }
0xc6: {  	s3 =	rddreg [dreg:$0x2];
	[bflag:$0x3] =	sbarrier.arrive $0xFFFF;
	s2 =	simm.s32 @!p0 $0x1C02  }
0xc7: {  	[timem:s3], [sflag:s2] =	dma.local @!p0 [hbm:s0], s1  }
0xc8: {  	s0 =	simm.s32 @!p0 $0x2  }
0xc9: {  	_ =	swait.ge @!p0 [sflag:s0], s1  }
0xca: {  	s1 =	ssub.s32 @!p0 $0x0, s1;
	[sflag:s0] =	ssyncset.done @!p0 $0x0  }
0xcb: {  	[sflag:s0] =	ssyncadd.s32 @!p0 s1  }
0xcc: {  	[bflag:$0x3] =	sbarrier.arrive $0xFFFF  }
0xcd: {  	_ =	shalt  }

</sc_bundles>
